<compile_context>
chip_gen: v7x
topology: tpu7x:2x2x1
jax: 0.10.2.dev20260603
libtpu: 0.0.44.dev20260713+nightly
codegen_flags: <defaults>
</compile_context>

<pallas_src>
import functools

import jax
import jax.numpy as jnp
from jax import lax
from jax.experimental import pallas as pl
from jax.experimental.pallas import tpu as pltpu
from jax.experimental.pallas import tpu_sc as plsc

MARGIN = 1.0
GAMMA1 = 0.9
GAMMA2 = 0.9
LAMBDA = 0.5
TAU = 1.0

_B = 4096
_ROWS = 32
_LANES = 128


def _xla_mean(t):
    v = ((t[0:8] + t[8:16]) + t[16:24]) + t[24:32]
    s4 = v + jnp.concatenate([v[4:8], v[0:4]], axis=0)
    s2 = s4 + jnp.concatenate([s4[2:8], s4[0:2]], axis=0)
    s1 = s2 + jnp.concatenate([s2[1:8], s2[0:1]], axis=0)
    return jnp.sum(s1[0]) / t.size


def _tc_body(ur_ref, x_ref, xa_ref, yt_ref, uag_ref, upg_ref, out_ref):
    x = x_ref[...]
    xa = xa_ref[...]
    pos = (yt_ref[...] == 1).astype(jnp.float32)
    uag = uag_ref[...]
    upg = upg_ref[...]
    B = x.size

    q = 1.0 / (1.0 + jnp.exp(-x))
    a = 1.0 - q
    npos = jnp.sum(pos)
    sq = jnp.sum(q)
    sq2 = jnp.sum(q * q)
    sqp = jnp.sum(q * pos)
    sq2p = jnp.sum(q * q * pos)
    S = B * a * a + 2.0 * a * sq + sq2
    P = npos * a * a + 2.0 * a * sqp + sq2p
    ua = (1.0 - GAMMA1) * uag + GAMMA1 * (S / B)
    num = (1.0 - GAMMA1) * (upg * S - uag * P)
    t = pos * (num / (ua * ua))
    nat = jnp.sum(t) / (npos * B)

    yp = jnp.tanh(x) / TAU
    ypa = jnp.tanh(xa) / TAU
    e1 = jnp.exp(yp)
    g1 = _xla_mean(e1 * (yp - ypa))
    g2 = _xla_mean(e1)
    g3 = _xla_mean(jnp.exp(ypa))
    ur0 = (1.0 - GAMMA2) * ur_ref[0] + GAMMA2 * g1
    ur1 = (1.0 - GAMMA2) * ur_ref[1] + GAMMA2 * g2
    ur2 = (1.0 - GAMMA2) * ur_ref[2] + GAMMA2 * g3
    adv = (1.0 / ur1) * g1 - (ur0 / ur1 ** 2) * g2 \
        + (1.0 / ur2) * g3 - (1.0 / ur1) * g2

    out_ref[0, 0] = nat + LAMBDA * adv


_SC_INFO = plsc.get_sparse_core_info()
_NW = _SC_INFO.num_subcores
_BPW = _B // _NW


@functools.partial(
    pl.kernel,
    mesh=plsc.VectorSubcoreMesh(core_axis_name="c", subcore_axis_name="s",
                                num_cores=1),
    out_type=(jax.ShapeDtypeStruct((_ROWS, _LANES), jnp.float32),
              jax.ShapeDtypeStruct((_ROWS, _LANES), jnp.float32)),
    scratch_types=[
        pltpu.VMEM((2, 128), jnp.int32),
        pltpu.VMEM((2, 128), jnp.float32),
        pltpu.VMEM((2, 128), jnp.float32),
        pltpu.SemaphoreType.DMA,
        pltpu.SemaphoreType.DMA,
    ],
)
def _sc_gather(ua_hbm, up_hbm, idx_hbm, uag_out, upg_out,
               idx_v, ra_v, rb_v, sem_a, sem_b):
    row = lax.axis_index("s") * 2
    pltpu.sync_copy(idx_hbm.at[pl.ds(row, 2)], idx_v)
    for j in range(2):
        cp_a = pltpu.async_copy(ua_hbm.at[idx_v.at[j]], ra_v.at[j], sem_a)
        cp_b = pltpu.async_copy(up_hbm.at[idx_v.at[j]], rb_v.at[j], sem_b)
        cp_a.wait()
        cp_b.wait()
    pltpu.sync_copy(ra_v, uag_out.at[pl.ds(row, 2)])
    pltpu.sync_copy(rb_v, upg_out.at[pl.ds(row, 2)])


def kernel(y_pred, y_pred_adv, y_true, index_s, u_all, u_pos, u_r):
    shape2 = (_ROWS, _LANES)
    uag, upg = _sc_gather(u_all.reshape(-1), u_pos.reshape(-1),
                          index_s.astype(jnp.int32).reshape(shape2))
    out = pl.pallas_call(
        _tc_body,
        out_shape=jax.ShapeDtypeStruct((1, 1), jnp.float32),
        out_specs=pl.BlockSpec(memory_space=pltpu.SMEM),
        in_specs=[
            pl.BlockSpec(memory_space=pltpu.SMEM),
            pl.BlockSpec(memory_space=pltpu.VMEM),
            pl.BlockSpec(memory_space=pltpu.VMEM),
            pl.BlockSpec(memory_space=pltpu.VMEM),
            pl.BlockSpec(memory_space=pltpu.VMEM),
            pl.BlockSpec(memory_space=pltpu.VMEM),
        ],
    )(u_r, y_pred.reshape(shape2), y_pred_adv.reshape(shape2),
      jnp.squeeze(y_true).astype(jnp.int32).reshape(shape2),
      uag, upg)
    return out[0, 0]

# --- scband reference (transcript-rebuilt; emitter-appended) ---
"""Pipeline reference for scband-ad-ap-ln-52587579572531 (READ-ONLY COPY).

The authoritative reference and input builder live on the scoring server;
editing this copy changes nothing except your own understanding.
"""

import jax, jax.numpy as jnp
import numpy as np

MARGIN = 1.0
GAMMA1 = 0.9
GAMMA2 = 0.9
LAMBDA = 0.5
TAU = 1.0
DATA_LENGTH = 100000
B = 4096


def setup_inputs(seed: int = 0) -> dict:
    key = jax.random.key(seed)
    k1, k2, k3, k4 = jax.random.split(key, 4)
    y_pred = jax.random.normal(k1, (B,), dtype=jnp.float32)
    y_pred_adv = jax.random.normal(k2, (B,), dtype=jnp.float32)
    y_true = jax.random.randint(k3, (B,), 0, 2)
    index_s = jax.random.randint(k4, (B,), 0, DATA_LENGTH)
    u_all = jnp.zeros((DATA_LENGTH, 1), dtype=jnp.float32)
    u_pos = jnp.zeros((DATA_LENGTH, 1), dtype=jnp.float32)
    u_r = jnp.zeros((3,), dtype=jnp.float32)
    return {"y_pred": y_pred, "y_pred_adv": y_pred_adv, "y_true": y_true,
            "index_s": index_s, "u_all": u_all, "u_pos": u_pos, "u_r": u_r}


def reference(y_pred, y_pred_adv, y_true, index_s, u_all, u_pos, u_r):
    y_true = jnp.squeeze(y_true)

    y_prob = jax.nn.sigmoid(y_pred)
    yp = jnp.tanh(y_pred) / TAU
    ypa = jnp.tanh(y_pred_adv) / TAU

    pos_mask = (y_true == 1).reshape(-1).astype(y_prob.dtype)   # [B]
    row_mask = pos_mask.reshape(-1, 1)                          # [B, 1]
    num_pos = jnp.sum(pos_mask)

    f_all = y_prob.reshape(-1, 1)                               # [B, 1]
    mat_data = jnp.broadcast_to(y_prob.reshape(1, -1),
                                (y_prob.shape[0], y_prob.shape[0]))  # [B, B]

    sur_loss = jnp.maximum(MARGIN - (f_all - mat_data), 0.0) ** 2  # [B, B]
    pos_sur_loss = sur_loss * pos_mask                             # [B, B]

    # moving-average buffer updates (detached), then read back the updated rows
    u_all_sel = (1.0 - GAMMA1) * u_all[index_s] + GAMMA1 * jax.lax.stop_gradient(
        sur_loss.mean(axis=1, keepdims=True))
    u_pos_sel = (1.0 - GAMMA1) * u_pos[index_s] + GAMMA1 * jax.lax.stop_gradient(
        pos_sur_loss.mean(axis=1, keepdims=True))

    p = jax.lax.stop_gradient((u_pos_sel - u_all_sel * pos_mask) / (u_all_sel ** 2))
    nat_loss = jnp.sum(row_mask * (p * sur_loss)) / (num_pos * y_prob.shape[0])

    g1 = jnp.mean(jnp.exp(yp) * (yp - ypa))
    g2 = jnp.mean(jnp.exp(yp))
    g3 = jnp.mean(jnp.exp(ypa))
    u_r0 = jax.lax.stop_gradient((1.0 - GAMMA2) * u_r[0] + GAMMA2 * g1)
    u_r1 = jax.lax.stop_gradient((1.0 - GAMMA2) * u_r[1] + GAMMA2 * g2)
    u_r2 = jax.lax.stop_gradient((1.0 - GAMMA2) * u_r[2] + GAMMA2 * g3)

    adv_loss = (1.0 / u_r1) * g1 - (u_r0 / u_r1 ** 2) * g2 \
               + (1.0 / u_r2) * g3 - (1.0 / u_r1) * g2

    loss = nat_loss + LAMBDA * adv_loss
    return loss

if __name__ == "__main__":
    import jax
    _d = setup_inputs()
    print(jax.jit(kernel)(*tuple(_d.values())))

</pallas_src>

<mosaic_0001>
#map = affine_map<(d0, d1) -> (0)>
#map1 = affine_map<(d0, d1) -> (0, 0)>
module attributes {stable_mosaic.version = 14 : i64} {
  func.func @_sc_gather(%arg0: i32, %arg1: i32, %arg2: memref<100000xf32, #tpu.memory_space<hbm>>, %arg3: memref<100000xf32, #tpu.memory_space<hbm>>, %arg4: memref<32x128xi32, #tpu.memory_space<hbm>>, %arg5: memref<32x128xf32, #tpu.memory_space<hbm>>, %arg6: memref<32x128xf32, #tpu.memory_space<hbm>>, %arg7: memref<2x128xi32, #tpu.memory_space<vmem>>, %arg8: memref<2x128xf32, #tpu.memory_space<vmem>>, %arg9: memref<2x128xf32, #tpu.memory_space<vmem>>, %arg10: memref<!tpu.dma_semaphore, #tpu.memory_space<semaphore_mem>>, %arg11: memref<!tpu.dma_semaphore, #tpu.memory_space<semaphore_mem>>) attributes {dimension_semantics = [#tpu.dimension_semantics<core_parallel>, #tpu.dimension_semantics<subcore_parallel>], iteration_bounds = array<i64: 1, 16>, scalar_prefetch = 0 : i64, scratch_operands = 5 : i64, tpu.core_type = #tpu.core_type<sc_vector_subcore>, window_params = [{transform_indices = #map}, {transform_indices = #map}, {transform_indices = #map1}, {transform_indices = #map1}, {transform_indices = #map1}]} {
    %mul3A = arith.constant 2 : i32
    %mul3A_0 = arith.muli %arg1, %mul3A : i32
    "tpu.region"() ({
      %run_scoped3A = tpu.sem_alloc : memref<!tpu.dma_semaphore, #tpu.memory_space<semaphore_mem>>
      %dma_start3A_79 = arith.constant 0 : i32
      %dma_start3A_80 = tpu.memref_slice %arg4[%mul3A_0, %dma_start3A_79] : memref<32x128xi32, #tpu.memory_space<hbm>> -> memref<2x128xi32, #tpu.memory_space<hbm>>
      %dma_start3A_81 = arith.constant 0 : i32
      %dma_start3A_82 = tpu.memref_slice %arg4[%mul3A_0, %dma_start3A_81] : memref<32x128xi32, #tpu.memory_space<hbm>> -> memref<2x128xi32, #tpu.memory_space<hbm>>
      tpu.enqueue_dma source(%dma_start3A_82 : memref<2x128xi32, #tpu.memory_space<hbm>>) target(%arg7 : memref<2x128xi32, #tpu.memory_space<vmem>>) target_semaphore(%run_scoped3A : memref<!tpu.dma_semaphore, #tpu.memory_space<semaphore_mem>>)
      %dma_wait3A_83 = arith.constant 0 : i32
      %dma_wait3A_84 = tpu.memref_slice %arg4[%mul3A_0, %dma_wait3A_83] : memref<32x128xi32, #tpu.memory_space<hbm>> -> memref<2x128xi32, #tpu.memory_space<hbm>>
      %dma_wait3A_85 = arith.constant 0 : i32
      %dma_wait3A_86 = tpu.memref_slice %arg4[%mul3A_0, %dma_wait3A_85] : memref<32x128xi32, #tpu.memory_space<hbm>> -> memref<2x128xi32, #tpu.memory_space<hbm>>
      tpu.wait_dma2 semaphore(%run_scoped3A : memref<!tpu.dma_semaphore, #tpu.memory_space<semaphore_mem>>) src(%dma_wait3A_86 : memref<2x128xi32, #tpu.memory_space<hbm>>) dst(%arg7 : memref<2x128xi32, #tpu.memory_space<vmem>>)
      tpu.yield
    }) : () -> ()
    %dma_start3A = arith.constant 0 : i32
    %dma_start3A_1 = arith.constant 0 : i32
    %dma_start3A_2 = arith.constant 0 : i32
    %dma_start3A_3 = tpu.memref_slice %arg8[%dma_start3A_1, %dma_start3A_2] : memref<2x128xf32, #tpu.memory_space<vmem>> -> memref<1x128xf32, #tpu.memory_space<vmem>>
    %dma_start3A_4 = tpu.memref_squeeze %dma_start3A_3 : memref<1x128xf32, #tpu.memory_space<vmem>> -> memref<128xf32, #tpu.memory_space<vmem>>
    %dma_start3A_5 = arith.constant 0 : i32
    %dma_start3A_6 = tpu.memref_slice %arg7[%dma_start3A, %dma_start3A_5] : memref<2x128xi32, #tpu.memory_space<vmem>> -> memref<1x128xi32, #tpu.memory_space<vmem>>
    %dma_start3A_7 = tpu.memref_squeeze %dma_start3A_6 : memref<1x128xi32, #tpu.memory_space<vmem>> -> memref<128xi32, #tpu.memory_space<vmem>>
    %dma_start3A_8 = arith.constant 0 : i32
    %dma_start3A_9 = tpu.memref_slice %arg2[%dma_start3A_8] : memref<100000xf32, #tpu.memory_space<hbm>> -> memref<100000xf32, #tpu.memory_space<hbm>>
    tpu.enqueue_indirect_dma source(%dma_start3A_9 : memref<100000xf32, #tpu.memory_space<hbm>>) target(%dma_start3A_4 : memref<128xf32, #tpu.memory_space<vmem>>) offsets(%dma_start3A_7 : memref<128xi32, #tpu.memory_space<vmem>>) semaphore(%arg10 : memref<!tpu.dma_semaphore, #tpu.memory_space<semaphore_mem>>)
    %dma_start3A_10 = arith.constant 0 : i32
    %dma_start3A_11 = arith.constant 0 : i32
    %dma_start3A_12 = arith.constant 0 : i32
    %dma_start3A_13 = tpu.memref_slice %arg9[%dma_start3A_11, %dma_start3A_12] : memref<2x128xf32, #tpu.memory_space<vmem>> -> memref<1x128xf32, #tpu.memory_space<vmem>>
    %dma_start3A_14 = tpu.memref_squeeze %dma_start3A_13 : memref<1x128xf32, #tpu.memory_space<vmem>> -> memref<128xf32, #tpu.memory_space<vmem>>
    %dma_start3A_15 = arith.constant 0 : i32
    %dma_start3A_16 = tpu.memref_slice %arg7[%dma_start3A_10, %dma_start3A_15] : memref<2x128xi32, #tpu.memory_space<vmem>> -> memref<1x128xi32, #tpu.memory_space<vmem>>
    %dma_start3A_17 = tpu.memref_squeeze %dma_start3A_16 : memref<1x128xi32, #tpu.memory_space<vmem>> -> memref<128xi32, #tpu.memory_space<vmem>>
    %dma_start3A_18 = arith.constant 0 : i32
    %dma_start3A_19 = tpu.memref_slice %arg3[%dma_start3A_18] : memref<100000xf32, #tpu.memory_space<hbm>> -> memref<100000xf32, #tpu.memory_space<hbm>>
    tpu.enqueue_indirect_dma source(%dma_start3A_19 : memref<100000xf32, #tpu.memory_space<hbm>>) target(%dma_start3A_14 : memref<128xf32, #tpu.memory_space<vmem>>) offsets(%dma_start3A_17 : memref<128xi32, #tpu.memory_space<vmem>>) semaphore(%arg11 : memref<!tpu.dma_semaphore, #tpu.memory_space<semaphore_mem>>)
    %dma_wait3A = arith.constant 0 : i32
    %dma_wait3A_20 = arith.constant 0 : i32
    %dma_wait3A_21 = arith.constant 0 : i32
    %dma_wait3A_22 = tpu.memref_slice %arg8[%dma_wait3A_20, %dma_wait3A_21] : memref<2x128xf32, #tpu.memory_space<vmem>> -> memref<1x128xf32, #tpu.memory_space<vmem>>
    %dma_wait3A_23 = tpu.memref_squeeze %dma_wait3A_22 : memref<1x128xf32, #tpu.memory_space<vmem>> -> memref<128xf32, #tpu.memory_space<vmem>>
    %dma_wait3A_24 = arith.constant 0 : i32
    %dma_wait3A_25 = tpu.memref_slice %arg7[%dma_wait3A, %dma_wait3A_24] : memref<2x128xi32, #tpu.memory_space<vmem>> -> memref<1x128xi32, #tpu.memory_space<vmem>>
    %dma_wait3A_26 = tpu.memref_squeeze %dma_wait3A_25 : memref<1x128xi32, #tpu.memory_space<vmem>> -> memref<128xi32, #tpu.memory_space<vmem>>
    %dma_wait3A_27 = arith.constant 0 : i32
    %dma_wait3A_28 = tpu.memref_slice %arg2[%dma_wait3A_27] : memref<100000xf32, #tpu.memory_space<hbm>> -> memref<100000xf32, #tpu.memory_space<hbm>>
    tpu.wait_indirect_dma semaphore(%arg10 : memref<!tpu.dma_semaphore, #tpu.memory_space<semaphore_mem>>) src(%dma_wait3A_28 : memref<100000xf32, #tpu.memory_space<hbm>>) dst(%dma_wait3A_23 : memref<128xf32, #tpu.memory_space<vmem>>)
    %dma_wait3A_29 = arith.constant 0 : i32
    %dma_wait3A_30 = arith.constant 0 : i32
    %dma_wait3A_31 = arith.constant 0 : i32
    %dma_wait3A_32 = tpu.memref_slice %arg9[%dma_wait3A_30, %dma_wait3A_31] : memref<2x128xf32, #tpu.memory_space<vmem>> -> memref<1x128xf32, #tpu.memory_space<vmem>>
    %dma_wait3A_33 = tpu.memref_squeeze %dma_wait3A_32 : memref<1x128xf32, #tpu.memory_space<vmem>> -> memref<128xf32, #tpu.memory_space<vmem>>
    %dma_wait3A_34 = arith.constant 0 : i32
    %dma_wait3A_35 = tpu.memref_slice %arg7[%dma_wait3A_29, %dma_wait3A_34] : memref<2x128xi32, #tpu.memory_space<vmem>> -> memref<1x128xi32, #tpu.memory_space<vmem>>
    %dma_wait3A_36 = tpu.memref_squeeze %dma_wait3A_35 : memref<1x128xi32, #tpu.memory_space<vmem>> -> memref<128xi32, #tpu.memory_space<vmem>>
    %dma_wait3A_37 = arith.constant 0 : i32
    %dma_wait3A_38 = tpu.memref_slice %arg3[%dma_wait3A_37] : memref<100000xf32, #tpu.memory_space<hbm>> -> memref<100000xf32, #tpu.memory_space<hbm>>
    tpu.wait_indirect_dma semaphore(%arg11 : memref<!tpu.dma_semaphore, #tpu.memory_space<semaphore_mem>>) src(%dma_wait3A_38 : memref<100000xf32, #tpu.memory_space<hbm>>) dst(%dma_wait3A_33 : memref<128xf32, #tpu.memory_space<vmem>>)
    %dma_start3A_39 = arith.constant 1 : i32
    %dma_start3A_40 = arith.constant 1 : i32
    %dma_start3A_41 = arith.constant 0 : i32
    %dma_start3A_42 = tpu.memref_slice %arg8[%dma_start3A_40, %dma_start3A_41] : memref<2x128xf32, #tpu.memory_space<vmem>> -> memref<1x128xf32, #tpu.memory_space<vmem>>
    %dma_start3A_43 = tpu.memref_squeeze %dma_start3A_42 : memref<1x128xf32, #tpu.memory_space<vmem>> -> memref<128xf32, #tpu.memory_space<vmem>>
    %dma_start3A_44 = arith.constant 0 : i32
    %dma_start3A_45 = tpu.memref_slice %arg7[%dma_start3A_39, %dma_start3A_44] : memref<2x128xi32, #tpu.memory_space<vmem>> -> memref<1x128xi32, #tpu.memory_space<vmem>>
    %dma_start3A_46 = tpu.memref_squeeze %dma_start3A_45 : memref<1x128xi32, #tpu.memory_space<vmem>> -> memref<128xi32, #tpu.memory_space<vmem>>
    %dma_start3A_47 = arith.constant 0 : i32
    %dma_start3A_48 = tpu.memref_slice %arg2[%dma_start3A_47] : memref<100000xf32, #tpu.memory_space<hbm>> -> memref<100000xf32, #tpu.memory_space<hbm>>
    tpu.enqueue_indirect_dma source(%dma_start3A_48 : memref<100000xf32, #tpu.memory_space<hbm>>) target(%dma_start3A_43 : memref<128xf32, #tpu.memory_space<vmem>>) offsets(%dma_start3A_46 : memref<128xi32, #tpu.memory_space<vmem>>) semaphore(%arg10 : memref<!tpu.dma_semaphore, #tpu.memory_space<semaphore_mem>>)
    %dma_start3A_49 = arith.constant 1 : i32
    %dma_start3A_50 = arith.constant 1 : i32
    %dma_start3A_51 = arith.constant 0 : i32
    %dma_start3A_52 = tpu.memref_slice %arg9[%dma_start3A_50, %dma_start3A_51] : memref<2x128xf32, #tpu.memory_space<vmem>> -> memref<1x128xf32, #tpu.memory_space<vmem>>
    %dma_start3A_53 = tpu.memref_squeeze %dma_start3A_52 : memref<1x128xf32, #tpu.memory_space<vmem>> -> memref<128xf32, #tpu.memory_space<vmem>>
    %dma_start3A_54 = arith.constant 0 : i32
    %dma_start3A_55 = tpu.memref_slice %arg7[%dma_start3A_49, %dma_start3A_54] : memref<2x128xi32, #tpu.memory_space<vmem>> -> memref<1x128xi32, #tpu.memory_space<vmem>>
    %dma_start3A_56 = tpu.memref_squeeze %dma_start3A_55 : memref<1x128xi32, #tpu.memory_space<vmem>> -> memref<128xi32, #tpu.memory_space<vmem>>
    %dma_start3A_57 = arith.constant 0 : i32
    %dma_start3A_58 = tpu.memref_slice %arg3[%dma_start3A_57] : memref<100000xf32, #tpu.memory_space<hbm>> -> memref<100000xf32, #tpu.memory_space<hbm>>
    tpu.enqueue_indirect_dma source(%dma_start3A_58 : memref<100000xf32, #tpu.memory_space<hbm>>) target(%dma_start3A_53 : memref<128xf32, #tpu.memory_space<vmem>>) offsets(%dma_start3A_56 : memref<128xi32, #tpu.memory_space<vmem>>) semaphore(%arg11 : memref<!tpu.dma_semaphore, #tpu.memory_space<semaphore_mem>>)
    %dma_wait3A_59 = arith.constant 1 : i32
    %dma_wait3A_60 = arith.constant 1 : i32
    %dma_wait3A_61 = arith.constant 0 : i32
    %dma_wait3A_62 = tpu.memref_slice %arg8[%dma_wait3A_60, %dma_wait3A_61] : memref<2x128xf32, #tpu.memory_space<vmem>> -> memref<1x128xf32, #tpu.memory_space<vmem>>
    %dma_wait3A_63 = tpu.memref_squeeze %dma_wait3A_62 : memref<1x128xf32, #tpu.memory_space<vmem>> -> memref<128xf32, #tpu.memory_space<vmem>>
    %dma_wait3A_64 = arith.constant 0 : i32
    %dma_wait3A_65 = tpu.memref_slice %arg7[%dma_wait3A_59, %dma_wait3A_64] : memref<2x128xi32, #tpu.memory_space<vmem>> -> memref<1x128xi32, #tpu.memory_space<vmem>>
    %dma_wait3A_66 = tpu.memref_squeeze %dma_wait3A_65 : memref<1x128xi32, #tpu.memory_space<vmem>> -> memref<128xi32, #tpu.memory_space<vmem>>
    %dma_wait3A_67 = arith.constant 0 : i32
    %dma_wait3A_68 = tpu.memref_slice %arg2[%dma_wait3A_67] : memref<100000xf32, #tpu.memory_space<hbm>> -> memref<100000xf32, #tpu.memory_space<hbm>>
    tpu.wait_indirect_dma semaphore(%arg10 : memref<!tpu.dma_semaphore, #tpu.memory_space<semaphore_mem>>) src(%dma_wait3A_68 : memref<100000xf32, #tpu.memory_space<hbm>>) dst(%dma_wait3A_63 : memref<128xf32, #tpu.memory_space<vmem>>)
    %dma_wait3A_69 = arith.constant 1 : i32
    %dma_wait3A_70 = arith.constant 1 : i32
    %dma_wait3A_71 = arith.constant 0 : i32
    %dma_wait3A_72 = tpu.memref_slice %arg9[%dma_wait3A_70, %dma_wait3A_71] : memref<2x128xf32, #tpu.memory_space<vmem>> -> memref<1x128xf32, #tpu.memory_space<vmem>>
    %dma_wait3A_73 = tpu.memref_squeeze %dma_wait3A_72 : memref<1x128xf32, #tpu.memory_space<vmem>> -> memref<128xf32, #tpu.memory_space<vmem>>
    %dma_wait3A_74 = arith.constant 0 : i32
    %dma_wait3A_75 = tpu.memref_slice %arg7[%dma_wait3A_69, %dma_wait3A_74] : memref<2x128xi32, #tpu.memory_space<vmem>> -> memref<1x128xi32, #tpu.memory_space<vmem>>
    %dma_wait3A_76 = tpu.memref_squeeze %dma_wait3A_75 : memref<1x128xi32, #tpu.memory_space<vmem>> -> memref<128xi32, #tpu.memory_space<vmem>>
    %dma_wait3A_77 = arith.constant 0 : i32
    %dma_wait3A_78 = tpu.memref_slice %arg3[%dma_wait3A_77] : memref<100000xf32, #tpu.memory_space<hbm>> -> memref<100000xf32, #tpu.memory_space<hbm>>
    tpu.wait_indirect_dma semaphore(%arg11 : memref<!tpu.dma_semaphore, #tpu.memory_space<semaphore_mem>>) src(%dma_wait3A_78 : memref<100000xf32, #tpu.memory_space<hbm>>) dst(%dma_wait3A_73 : memref<128xf32, #tpu.memory_space<vmem>>)
    "tpu.region"() ({
      %run_scoped3A = tpu.sem_alloc : memref<!tpu.dma_semaphore, #tpu.memory_space<semaphore_mem>>
      %dma_start3A_79 = arith.constant 0 : i32
      %dma_start3A_80 = tpu.memref_slice %arg5[%mul3A_0, %dma_start3A_79] : memref<32x128xf32, #tpu.memory_space<hbm>> -> memref<2x128xf32, #tpu.memory_space<hbm>>
      %dma_start3A_81 = arith.constant 0 : i32
      %dma_start3A_82 = tpu.memref_slice %arg5[%mul3A_0, %dma_start3A_81] : memref<32x128xf32, #tpu.memory_space<hbm>> -> memref<2x128xf32, #tpu.memory_space<hbm>>
      tpu.enqueue_dma source(%arg8 : memref<2x128xf32, #tpu.memory_space<vmem>>) target(%dma_start3A_82 : memref<2x128xf32, #tpu.memory_space<hbm>>) target_semaphore(%run_scoped3A : memref<!tpu.dma_semaphore, #tpu.memory_space<semaphore_mem>>)
      %dma_wait3A_83 = arith.constant 0 : i32
      %dma_wait3A_84 = tpu.memref_slice %arg5[%mul3A_0, %dma_wait3A_83] : memref<32x128xf32, #tpu.memory_space<hbm>> -> memref<2x128xf32, #tpu.memory_space<hbm>>
      %dma_wait3A_85 = arith.constant 0 : i32
      %dma_wait3A_86 = tpu.memref_slice %arg5[%mul3A_0, %dma_wait3A_85] : memref<32x128xf32, #tpu.memory_space<hbm>> -> memref<2x128xf32, #tpu.memory_space<hbm>>
      tpu.wait_dma2 semaphore(%run_scoped3A : memref<!tpu.dma_semaphore, #tpu.memory_space<semaphore_mem>>) src(%arg8 : memref<2x128xf32, #tpu.memory_space<vmem>>) dst(%dma_wait3A_86 : memref<2x128xf32, #tpu.memory_space<hbm>>)
      tpu.yield
    }) : () -> ()
    "tpu.region"() ({
      %run_scoped3A = tpu.sem_alloc : memref<!tpu.dma_semaphore, #tpu.memory_space<semaphore_mem>>
      %dma_start3A_79 = arith.constant 0 : i32
      %dma_start3A_80 = tpu.memref_slice %arg6[%mul3A_0, %dma_start3A_79] : memref<32x128xf32, #tpu.memory_space<hbm>> -> memref<2x128xf32, #tpu.memory_space<hbm>>
      %dma_start3A_81 = arith.constant 0 : i32
      %dma_start3A_82 = tpu.memref_slice %arg6[%mul3A_0, %dma_start3A_81] : memref<32x128xf32, #tpu.memory_space<hbm>> -> memref<2x128xf32, #tpu.memory_space<hbm>>
      tpu.enqueue_dma source(%arg9 : memref<2x128xf32, #tpu.memory_space<vmem>>) target(%dma_start3A_82 : memref<2x128xf32, #tpu.memory_space<hbm>>) target_semaphore(%run_scoped3A : memref<!tpu.dma_semaphore, #tpu.memory_space<semaphore_mem>>)
      %dma_wait3A_83 = arith.constant 0 : i32
      %dma_wait3A_84 = tpu.memref_slice %arg6[%mul3A_0, %dma_wait3A_83] : memref<32x128xf32, #tpu.memory_space<hbm>> -> memref<2x128xf32, #tpu.memory_space<hbm>>
      %dma_wait3A_85 = arith.constant 0 : i32
      %dma_wait3A_86 = tpu.memref_slice %arg6[%mul3A_0, %dma_wait3A_85] : memref<32x128xf32, #tpu.memory_space<hbm>> -> memref<2x128xf32, #tpu.memory_space<hbm>>
      tpu.wait_dma2 semaphore(%run_scoped3A : memref<!tpu.dma_semaphore, #tpu.memory_space<semaphore_mem>>) src(%arg9 : memref<2x128xf32, #tpu.memory_space<vmem>>) dst(%dma_wait3A_86 : memref<2x128xf32, #tpu.memory_space<hbm>>)
      tpu.yield
    }) : () -> ()
    return
  }
}

module attributes {stable_mosaic.version = 14 : i64} {
  func.func @_tc_body(%arg0: memref<3xf32, #tpu.memory_space<smem>>, %arg1: memref<32x128xf32, #tpu.memory_space<vmem>>, %arg2: memref<32x128xf32, #tpu.memory_space<vmem>>, %arg3: memref<32x128xi32, #tpu.memory_space<vmem>>, %arg4: memref<32x128xf32, #tpu.memory_space<vmem>>, %arg5: memref<32x128xf32, #tpu.memory_space<vmem>>, %arg6: memref<1x1xf32, #tpu.memory_space<smem>>) attributes {dimension_semantics = [], scalar_prefetch = 0 : i64, scratch_operands = 0 : i64, tpu.core_type = #tpu.core_type<tc>} {
    %get3A = arith.constant 0 : index
    %get3A_0 = arith.constant 0 : index
    %get3A_1 = vector.load %arg1[%get3A, %get3A_0] : memref<32x128xf32, #tpu.memory_space<vmem>>, vector<32x128xf32>
    %get3A_2 = arith.constant 0 : index
    %get3A_3 = arith.constant 0 : index
    %get3A_4 = vector.load %arg2[%get3A_2, %get3A_3] : memref<32x128xf32, #tpu.memory_space<vmem>>, vector<32x128xf32>
    %get3A_5 = arith.constant 0 : index
    %get3A_6 = arith.constant 0 : index
    %get3A_7 = vector.load %arg3[%get3A_5, %get3A_6] : memref<32x128xi32, #tpu.memory_space<vmem>>, vector<32x128xi32>
    %eq3A = arith.constant 1 : i32
    %eq3A_8 = vector.broadcast %eq3A : i32 to vector<32x128xi32>
    %eq3A_9 = arith.cmpi eq, %get3A_7, %eq3A_8 : vector<32x128xi32>
    %convert_element_type3A = arith.extui %eq3A_9 : vector<32x128xi1> to vector<32x128xi32>
    %convert_element_type3A_10 = arith.sitofp %convert_element_type3A : vector<32x128xi32> to vector<32x128xf32>
    %get3A_11 = arith.constant 0 : index
    %get3A_12 = arith.constant 0 : index
    %get3A_13 = vector.load %arg4[%get3A_11, %get3A_12] : memref<32x128xf32, #tpu.memory_space<vmem>>, vector<32x128xf32>
    %get3A_14 = arith.constant 0 : index
    %get3A_15 = arith.constant 0 : index
    %get3A_16 = vector.load %arg5[%get3A_14, %get3A_15] : memref<32x128xf32, #tpu.memory_space<vmem>>, vector<32x128xf32>
    %neg3A = arith.constant 0.000000e+00 : f32
    %neg3A_17 = vector.broadcast %neg3A : f32 to vector<32x128xf32>
    %neg3A_18 = arith.subf %neg3A_17, %get3A_1 : vector<32x128xf32>
    %exp3A = math.exp %neg3A_18 : vector<32x128xf32>
    %add3A = arith.constant 1.000000e+00 : f32
    %add3A_19 = vector.broadcast %add3A : f32 to vector<32x128xf32>
    %add3A_20 = arith.addf %add3A_19, %exp3A : vector<32x128xf32>
    %div3A = arith.constant 1.000000e+00 : f32
    %div3A_21 = vector.broadcast %div3A : f32 to vector<32x128xf32>
    %div3A_22 = arith.divf %div3A_21, %add3A_20 : vector<32x128xf32>
    %sub3A = arith.constant 1.000000e+00 : f32
    %sub3A_23 = vector.broadcast %sub3A : f32 to vector<32x128xf32>
    %sub3A_24 = arith.subf %sub3A_23, %div3A_22 : vector<32x128xf32>
    %reduce_sum3A = vector.shape_cast %convert_element_type3A_10 : vector<32x128xf32> to vector<1x32x128xf32>
    %reduce_sum3A_25 = arith.constant dense<0.000000e+00> : vector<1xf32>
    %reduce_sum3A_26 = vector.multi_reduction <add>, %reduce_sum3A, %reduce_sum3A_25 [1, 2] : vector<1x32x128xf32> to vector<1xf32>
    %reduce_sum3A_27 = vector.shape_cast %reduce_sum3A_26 : vector<1xf32> to vector<1x1x1xf32>
    %reduce_sum3A_28 = vector.extract %reduce_sum3A_27[0, 0, 0] : f32 from vector<1x1x1xf32>
    %reduce_sum3A_29 = vector.shape_cast %div3A_22 : vector<32x128xf32> to vector<1x32x128xf32>
    %reduce_sum3A_30 = arith.constant dense<0.000000e+00> : vector<1xf32>
    %reduce_sum3A_31 = vector.multi_reduction <add>, %reduce_sum3A_29, %reduce_sum3A_30 [1, 2] : vector<1x32x128xf32> to vector<1xf32>
    %reduce_sum3A_32 = vector.shape_cast %reduce_sum3A_31 : vector<1xf32> to vector<1x1x1xf32>
    %reduce_sum3A_33 = vector.extract %reduce_sum3A_32[0, 0, 0] : f32 from vector<1x1x1xf32>
    %mul3A = arith.mulf %div3A_22, %div3A_22 : vector<32x128xf32>
    %reduce_sum3A_34 = vector.shape_cast %mul3A : vector<32x128xf32> to vector<1x32x128xf32>
    %reduce_sum3A_35 = arith.constant dense<0.000000e+00> : vector<1xf32>
    %reduce_sum3A_36 = vector.multi_reduction <add>, %reduce_sum3A_34, %reduce_sum3A_35 [1, 2] : vector<1x32x128xf32> to vector<1xf32>
    %reduce_sum3A_37 = vector.shape_cast %reduce_sum3A_36 : vector<1xf32> to vector<1x1x1xf32>
    %reduce_sum3A_38 = vector.extract %reduce_sum3A_37[0, 0, 0] : f32 from vector<1x1x1xf32>
    %mul3A_39 = arith.mulf %div3A_22, %convert_element_type3A_10 : vector<32x128xf32>
    %reduce_sum3A_40 = vector.shape_cast %mul3A_39 : vector<32x128xf32> to vector<1x32x128xf32>
    %reduce_sum3A_41 = arith.constant dense<0.000000e+00> : vector<1xf32>
    %reduce_sum3A_42 = vector.multi_reduction <add>, %reduce_sum3A_40, %reduce_sum3A_41 [1, 2] : vector<1x32x128xf32> to vector<1xf32>
    %reduce_sum3A_43 = vector.shape_cast %reduce_sum3A_42 : vector<1xf32> to vector<1x1x1xf32>
    %reduce_sum3A_44 = vector.extract %reduce_sum3A_43[0, 0, 0] : f32 from vector<1x1x1xf32>
    %mul3A_45 = arith.mulf %div3A_22, %div3A_22 : vector<32x128xf32>
    %mul3A_46 = arith.mulf %mul3A_45, %convert_element_type3A_10 : vector<32x128xf32>
    %reduce_sum3A_47 = vector.shape_cast %mul3A_46 : vector<32x128xf32> to vector<1x32x128xf32>
    %reduce_sum3A_48 = arith.constant dense<0.000000e+00> : vector<1xf32>
    %reduce_sum3A_49 = vector.multi_reduction <add>, %reduce_sum3A_47, %reduce_sum3A_48 [1, 2] : vector<1x32x128xf32> to vector<1xf32>
    %reduce_sum3A_50 = vector.shape_cast %reduce_sum3A_49 : vector<1xf32> to vector<1x1x1xf32>
    %reduce_sum3A_51 = vector.extract %reduce_sum3A_50[0, 0, 0] : f32 from vector<1x1x1xf32>
    %mul3A_52 = arith.constant 4.096000e+03 : f32
    %mul3A_53 = vector.broadcast %mul3A_52 : f32 to vector<32x128xf32>
    %mul3A_54 = arith.mulf %mul3A_53, %sub3A_24 : vector<32x128xf32>
    %mul3A_55 = arith.mulf %mul3A_54, %sub3A_24 : vector<32x128xf32>
    %mul3A_56 = arith.constant 2.000000e+00 : f32
    %mul3A_57 = vector.broadcast %mul3A_56 : f32 to vector<32x128xf32>
    %mul3A_58 = arith.mulf %mul3A_57, %sub3A_24 : vector<32x128xf32>
    %mul3A_59 = vector.broadcast %reduce_sum3A_33 : f32 to vector<32x128xf32>
    %mul3A_60 = arith.mulf %mul3A_58, %mul3A_59 : vector<32x128xf32>
    %add3A_61 = arith.addf %mul3A_55, %mul3A_60 : vector<32x128xf32>
    %add3A_62 = vector.broadcast %reduce_sum3A_38 : f32 to vector<32x128xf32>
    %add3A_63 = arith.addf %add3A_61, %add3A_62 : vector<32x128xf32>
    %mul3A_64 = vector.broadcast %reduce_sum3A_28 : f32 to vector<32x128xf32>
    %mul3A_65 = arith.mulf %mul3A_64, %sub3A_24 : vector<32x128xf32>
    %mul3A_66 = arith.mulf %mul3A_65, %sub3A_24 : vector<32x128xf32>
    %mul3A_67 = arith.constant 2.000000e+00 : f32
    %mul3A_68 = vector.broadcast %mul3A_67 : f32 to vector<32x128xf32>
    %mul3A_69 = arith.mulf %mul3A_68, %sub3A_24 : vector<32x128xf32>
    %mul3A_70 = vector.broadcast %reduce_sum3A_44 : f32 to vector<32x128xf32>
    %mul3A_71 = arith.mulf %mul3A_69, %mul3A_70 : vector<32x128xf32>
    %add3A_72 = arith.addf %mul3A_66, %mul3A_71 : vector<32x128xf32>
    %add3A_73 = vector.broadcast %reduce_sum3A_51 : f32 to vector<32x128xf32>
    %add3A_74 = arith.addf %add3A_72, %add3A_73 : vector<32x128xf32>
    %mul3A_75 = arith.constant 1.000000e-01 : f32
    %mul3A_76 = vector.broadcast %mul3A_75 : f32 to vector<32x128xf32>
    %mul3A_77 = arith.mulf %mul3A_76, %get3A_13 : vector<32x128xf32>
    %div3A_78 = arith.constant 4.096000e+03 : f32
    %div3A_79 = vector.broadcast %div3A_78 : f32 to vector<32x128xf32>
    %div3A_80 = arith.divf %add3A_63, %div3A_79 : vector<32x128xf32>
    %mul3A_81 = arith.constant 0.899999976 : f32
    %mul3A_82 = vector.broadcast %mul3A_81 : f32 to vector<32x128xf32>
    %mul3A_83 = arith.mulf %mul3A_82, %div3A_80 : vector<32x128xf32>
    %add3A_84 = arith.addf %mul3A_77, %mul3A_83 : vector<32x128xf32>
    %mul3A_85 = arith.mulf %get3A_16, %add3A_63 : vector<32x128xf32>
    %mul3A_86 = arith.mulf %get3A_13, %add3A_74 : vector<32x128xf32>
    %sub3A_87 = arith.subf %mul3A_85, %mul3A_86 : vector<32x128xf32>
    %mul3A_88 = arith.constant 1.000000e-01 : f32
    %mul3A_89 = vector.broadcast %mul3A_88 : f32 to vector<32x128xf32>
    %mul3A_90 = arith.mulf %mul3A_89, %sub3A_87 : vector<32x128xf32>
    %mul3A_91 = arith.mulf %add3A_84, %add3A_84 : vector<32x128xf32>
    %div3A_92 = arith.divf %mul3A_90, %mul3A_91 : vector<32x128xf32>
    %mul3A_93 = arith.mulf %convert_element_type3A_10, %div3A_92 : vector<32x128xf32>
    %reduce_sum3A_94 = vector.shape_cast %mul3A_93 : vector<32x128xf32> to vector<1x32x128xf32>
    %reduce_sum3A_95 = arith.constant dense<0.000000e+00> : vector<1xf32>
    %reduce_sum3A_96 = vector.multi_reduction <add>, %reduce_sum3A_94, %reduce_sum3A_95 [1, 2] : vector<1x32x128xf32> to vector<1xf32>
    %reduce_sum3A_97 = vector.shape_cast %reduce_sum3A_96 : vector<1xf32> to vector<1x1x1xf32>
    %reduce_sum3A_98 = vector.extract %reduce_sum3A_97[0, 0, 0] : f32 from vector<1x1x1xf32>
    %mul3A_99 = arith.constant 4.096000e+03 : f32
    %mul3A_100 = arith.mulf %reduce_sum3A_28, %mul3A_99 : f32
    %div3A_101 = arith.divf %reduce_sum3A_98, %mul3A_100 : f32
    %tanh3A = math.tanh %get3A_1 : vector<32x128xf32>
    %div3A_102 = arith.constant 1.000000e+00 : f32
    %div3A_103 = vector.broadcast %div3A_102 : f32 to vector<32x128xf32>
    %div3A_104 = arith.divf %tanh3A, %div3A_103 : vector<32x128xf32>
    %tanh3A_105 = math.tanh %get3A_4 : vector<32x128xf32>
    %div3A_106 = arith.constant 1.000000e+00 : f32
    %div3A_107 = vector.broadcast %div3A_106 : f32 to vector<32x128xf32>
    %div3A_108 = arith.divf %tanh3A_105, %div3A_107 : vector<32x128xf32>
    %exp3A_109 = math.exp %div3A_104 : vector<32x128xf32>
    %sub3A_110 = arith.subf %div3A_104, %div3A_108 : vector<32x128xf32>
    %mul3A_111 = arith.mulf %exp3A_109, %sub3A_110 : vector<32x128xf32>
    %slice3A = vector.extract_strided_slice %mul3A_111 {offsets = [0, 0], sizes = [8, 128], strides = [1, 1]} : vector<32x128xf32> to vector<8x128xf32>
    %slice3A_112 = vector.extract_strided_slice %mul3A_111 {offsets = [8, 0], sizes = [8, 128], strides = [1, 1]} : vector<32x128xf32> to vector<8x128xf32>
    %add3A_113 = arith.addf %slice3A, %slice3A_112 : vector<8x128xf32>
    %slice3A_114 = vector.extract_strided_slice %mul3A_111 {offsets = [16, 0], sizes = [8, 128], strides = [1, 1]} : vector<32x128xf32> to vector<8x128xf32>
    %add3A_115 = arith.addf %add3A_113, %slice3A_114 : vector<8x128xf32>
    %slice3A_116 = vector.extract_strided_slice %mul3A_111 {offsets = [24, 0], sizes = [8, 128], strides = [1, 1]} : vector<32x128xf32> to vector<8x128xf32>
    %add3A_117 = arith.addf %add3A_115, %slice3A_116 : vector<8x128xf32>
    %slice3A_118 = vector.extract_strided_slice %add3A_117 {offsets = [4, 0], sizes = [4, 128], strides = [1, 1]} : vector<8x128xf32> to vector<4x128xf32>
    %slice3A_119 = vector.extract_strided_slice %add3A_117 {offsets = [0, 0], sizes = [4, 128], strides = [1, 1]} : vector<8x128xf32> to vector<4x128xf32>
    %concatenate3A = tpu.concatenate %slice3A_118, %slice3A_119 in 0 : vector<4x128xf32>, vector<4x128xf32> -> vector<8x128xf32>
    %add3A_120 = arith.addf %add3A_117, %concatenate3A : vector<8x128xf32>
    %slice3A_121 = vector.extract_strided_slice %add3A_120 {offsets = [2, 0], sizes = [6, 128], strides = [1, 1]} : vector<8x128xf32> to vector<6x128xf32>
    %slice3A_122 = vector.extract_strided_slice %add3A_120 {offsets = [0, 0], sizes = [2, 128], strides = [1, 1]} : vector<8x128xf32> to vector<2x128xf32>
    %concatenate3A_123 = tpu.concatenate %slice3A_121, %slice3A_122 in 0 : vector<6x128xf32>, vector<2x128xf32> -> vector<8x128xf32>
    %add3A_124 = arith.addf %add3A_120, %concatenate3A_123 : vector<8x128xf32>
    %slice3A_125 = vector.extract_strided_slice %add3A_124 {offsets = [1, 0], sizes = [7, 128], strides = [1, 1]} : vector<8x128xf32> to vector<7x128xf32>
    %slice3A_126 = vector.extract_strided_slice %add3A_124 {offsets = [0, 0], sizes = [1, 128], strides = [1, 1]} : vector<8x128xf32> to vector<1x128xf32>
    %concatenate3A_127 = tpu.concatenate %slice3A_125, %slice3A_126 in 0 : vector<7x128xf32>, vector<1x128xf32> -> vector<8x128xf32>
    %add3A_128 = arith.addf %add3A_124, %concatenate3A_127 : vector<8x128xf32>
    %slice3A_129 = vector.extract_strided_slice %add3A_128 {offsets = [0, 0], sizes = [1, 128], strides = [1, 1]} : vector<8x128xf32> to vector<1x128xf32>
    %squeeze3A = vector.shape_cast %slice3A_129 : vector<1x128xf32> to vector<128xf32>
    %reduce_sum3A_130 = vector.shape_cast %squeeze3A : vector<128xf32> to vector<1x128xf32>
    %reduce_sum3A_131 = arith.constant dense<0.000000e+00> : vector<1xf32>
    %reduce_sum3A_132 = vector.multi_reduction <add>, %reduce_sum3A_130, %reduce_sum3A_131 [1] : vector<1x128xf32> to vector<1xf32>
    %reduce_sum3A_133 = vector.shape_cast %reduce_sum3A_132 : vector<1xf32> to vector<1x1xf32>
    %reduce_sum3A_134 = vector.extract %reduce_sum3A_133[0, 0] : f32 from vector<1x1xf32>
    %div3A_135 = arith.constant 4.096000e+03 : f32
    %div3A_136 = arith.divf %reduce_sum3A_134, %div3A_135 : f32
    %slice3A_137 = vector.extract_strided_slice %exp3A_109 {offsets = [0, 0], sizes = [8, 128], strides = [1, 1]} : vector<32x128xf32> to vector<8x128xf32>
    %slice3A_138 = vector.extract_strided_slice %exp3A_109 {offsets = [8, 0], sizes = [8, 128], strides = [1, 1]} : vector<32x128xf32> to vector<8x128xf32>
    %add3A_139 = arith.addf %slice3A_137, %slice3A_138 : vector<8x128xf32>
    %slice3A_140 = vector.extract_strided_slice %exp3A_109 {offsets = [16, 0], sizes = [8, 128], strides = [1, 1]} : vector<32x128xf32> to vector<8x128xf32>
    %add3A_141 = arith.addf %add3A_139, %slice3A_140 : vector<8x128xf32>
    %slice3A_142 = vector.extract_strided_slice %exp3A_109 {offsets = [24, 0], sizes = [8, 128], strides = [1, 1]} : vector<32x128xf32> to vector<8x128xf32>
    %add3A_143 = arith.addf %add3A_141, %slice3A_142 : vector<8x128xf32>
    %slice3A_144 = vector.extract_strided_slice %add3A_143 {offsets = [4, 0], sizes = [4, 128], strides = [1, 1]} : vector<8x128xf32> to vector<4x128xf32>
    %slice3A_145 = vector.extract_strided_slice %add3A_143 {offsets = [0, 0], sizes = [4, 128], strides = [1, 1]} : vector<8x128xf32> to vector<4x128xf32>
    %concatenate3A_146 = tpu.concatenate %slice3A_144, %slice3A_145 in 0 : vector<4x128xf32>, vector<4x128xf32> -> vector<8x128xf32>
    %add3A_147 = arith.addf %add3A_143, %concatenate3A_146 : vector<8x128xf32>
    %slice3A_148 = vector.extract_strided_slice %add3A_147 {offsets = [2, 0], sizes = [6, 128], strides = [1, 1]} : vector<8x128xf32> to vector<6x128xf32>
    %slice3A_149 = vector.extract_strided_slice %add3A_147 {offsets = [0, 0], sizes = [2, 128], strides = [1, 1]} : vector<8x128xf32> to vector<2x128xf32>
    %concatenate3A_150 = tpu.concatenate %slice3A_148, %slice3A_149 in 0 : vector<6x128xf32>, vector<2x128xf32> -> vector<8x128xf32>
    %add3A_151 = arith.addf %add3A_147, %concatenate3A_150 : vector<8x128xf32>
    %slice3A_152 = vector.extract_strided_slice %add3A_151 {offsets = [1, 0], sizes = [7, 128], strides = [1, 1]} : vector<8x128xf32> to vector<7x128xf32>
    %slice3A_153 = vector.extract_strided_slice %add3A_151 {offsets = [0, 0], sizes = [1, 128], strides = [1, 1]} : vector<8x128xf32> to vector<1x128xf32>
    %concatenate3A_154 = tpu.concatenate %slice3A_152, %slice3A_153 in 0 : vector<7x128xf32>, vector<1x128xf32> -> vector<8x128xf32>
    %add3A_155 = arith.addf %add3A_151, %concatenate3A_154 : vector<8x128xf32>
    %slice3A_156 = vector.extract_strided_slice %add3A_155 {offsets = [0, 0], sizes = [1, 128], strides = [1, 1]} : vector<8x128xf32> to vector<1x128xf32>
    %squeeze3A_157 = vector.shape_cast %slice3A_156 : vector<1x128xf32> to vector<128xf32>
    %reduce_sum3A_158 = vector.shape_cast %squeeze3A_157 : vector<128xf32> to vector<1x128xf32>
    %reduce_sum3A_159 = arith.constant dense<0.000000e+00> : vector<1xf32>
    %reduce_sum3A_160 = vector.multi_reduction <add>, %reduce_sum3A_158, %reduce_sum3A_159 [1] : vector<1x128xf32> to vector<1xf32>
    %reduce_sum3A_161 = vector.shape_cast %reduce_sum3A_160 : vector<1xf32> to vector<1x1xf32>
    %reduce_sum3A_162 = vector.extract %reduce_sum3A_161[0, 0] : f32 from vector<1x1xf32>
    %div3A_163 = arith.constant 4.096000e+03 : f32
    %div3A_164 = arith.divf %reduce_sum3A_162, %div3A_163 : f32
    %exp3A_165 = math.exp %div3A_108 : vector<32x128xf32>
    %slice3A_166 = vector.extract_strided_slice %exp3A_165 {offsets = [0, 0], sizes = [8, 128], strides = [1, 1]} : vector<32x128xf32> to vector<8x128xf32>
    %slice3A_167 = vector.extract_strided_slice %exp3A_165 {offsets = [8, 0], sizes = [8, 128], strides = [1, 1]} : vector<32x128xf32> to vector<8x128xf32>
    %add3A_168 = arith.addf %slice3A_166, %slice3A_167 : vector<8x128xf32>
    %slice3A_169 = vector.extract_strided_slice %exp3A_165 {offsets = [16, 0], sizes = [8, 128], strides = [1, 1]} : vector<32x128xf32> to vector<8x128xf32>
    %add3A_170 = arith.addf %add3A_168, %slice3A_169 : vector<8x128xf32>
    %slice3A_171 = vector.extract_strided_slice %exp3A_165 {offsets = [24, 0], sizes = [8, 128], strides = [1, 1]} : vector<32x128xf32> to vector<8x128xf32>
    %add3A_172 = arith.addf %add3A_170, %slice3A_171 : vector<8x128xf32>
    %slice3A_173 = vector.extract_strided_slice %add3A_172 {offsets = [4, 0], sizes = [4, 128], strides = [1, 1]} : vector<8x128xf32> to vector<4x128xf32>
    %slice3A_174 = vector.extract_strided_slice %add3A_172 {offsets = [0, 0], sizes = [4, 128], strides = [1, 1]} : vector<8x128xf32> to vector<4x128xf32>
    %concatenate3A_175 = tpu.concatenate %slice3A_173, %slice3A_174 in 0 : vector<4x128xf32>, vector<4x128xf32> -> vector<8x128xf32>
    %add3A_176 = arith.addf %add3A_172, %concatenate3A_175 : vector<8x128xf32>
    %slice3A_177 = vector.extract_strided_slice %add3A_176 {offsets = [2, 0], sizes = [6, 128], strides = [1, 1]} : vector<8x128xf32> to vector<6x128xf32>
    %slice3A_178 = vector.extract_strided_slice %add3A_176 {offsets = [0, 0], sizes = [2, 128], strides = [1, 1]} : vector<8x128xf32> to vector<2x128xf32>
    %concatenate3A_179 = tpu.concatenate %slice3A_177, %slice3A_178 in 0 : vector<6x128xf32>, vector<2x128xf32> -> vector<8x128xf32>
    %add3A_180 = arith.addf %add3A_176, %concatenate3A_179 : vector<8x128xf32>
    %slice3A_181 = vector.extract_strided_slice %add3A_180 {offsets = [1, 0], sizes = [7, 128], strides = [1, 1]} : vector<8x128xf32> to vector<7x128xf32>
    %slice3A_182 = vector.extract_strided_slice %add3A_180 {offsets = [0, 0], sizes = [1, 128], strides = [1, 1]} : vector<8x128xf32> to vector<1x128xf32>
    %concatenate3A_183 = tpu.concatenate %slice3A_181, %slice3A_182 in 0 : vector<7x128xf32>, vector<1x128xf32> -> vector<8x128xf32>
    %add3A_184 = arith.addf %add3A_180, %concatenate3A_183 : vector<8x128xf32>
    %slice3A_185 = vector.extract_strided_slice %add3A_184 {offsets = [0, 0], sizes = [1, 128], strides = [1, 1]} : vector<8x128xf32> to vector<1x128xf32>
    %squeeze3A_186 = vector.shape_cast %slice3A_185 : vector<1x128xf32> to vector<128xf32>
    %reduce_sum3A_187 = vector.shape_cast %squeeze3A_186 : vector<128xf32> to vector<1x128xf32>
    %reduce_sum3A_188 = arith.constant dense<0.000000e+00> : vector<1xf32>
    %reduce_sum3A_189 = vector.multi_reduction <add>, %reduce_sum3A_187, %reduce_sum3A_188 [1] : vector<1x128xf32> to vector<1xf32>
    %reduce_sum3A_190 = vector.shape_cast %reduce_sum3A_189 : vector<1xf32> to vector<1x1xf32>
    %reduce_sum3A_191 = vector.extract %reduce_sum3A_190[0, 0] : f32 from vector<1x1xf32>
    %div3A_192 = arith.constant 4.096000e+03 : f32
    %div3A_193 = arith.divf %reduce_sum3A_191, %div3A_192 : f32
    %get3A_194 = arith.constant 0 : index
    %get3A_195 = memref.load %arg0[%get3A_194] : memref<3xf32, #tpu.memory_space<smem>>
    %mul3A_196 = arith.constant 1.000000e-01 : f32
    %mul3A_197 = arith.mulf %mul3A_196, %get3A_195 : f32
    %mul3A_198 = arith.constant 0.899999976 : f32
    %mul3A_199 = arith.mulf %mul3A_198, %div3A_136 : f32
    %add3A_200 = arith.addf %mul3A_197, %mul3A_199 : f32
    %get3A_201 = arith.constant 1 : index
    %get3A_202 = memref.load %arg0[%get3A_201] : memref<3xf32, #tpu.memory_space<smem>>
    %mul3A_203 = arith.constant 1.000000e-01 : f32
    %mul3A_204 = arith.mulf %mul3A_203, %get3A_202 : f32
    %mul3A_205 = arith.constant 0.899999976 : f32
    %mul3A_206 = arith.mulf %mul3A_205, %div3A_164 : f32
    %add3A_207 = arith.addf %mul3A_204, %mul3A_206 : f32
    %get3A_208 = arith.constant 2 : index
    %get3A_209 = memref.load %arg0[%get3A_208] : memref<3xf32, #tpu.memory_space<smem>>
    %mul3A_210 = arith.constant 1.000000e-01 : f32
    %mul3A_211 = arith.mulf %mul3A_210, %get3A_209 : f32
    %mul3A_212 = arith.constant 0.899999976 : f32
    %mul3A_213 = arith.mulf %mul3A_212, %div3A_193 : f32
    %add3A_214 = arith.addf %mul3A_211, %mul3A_213 : f32
    %div3A_215 = arith.constant 1.000000e+00 : f32
    %div3A_216 = arith.divf %div3A_215, %add3A_207 : f32
    %mul3A_217 = arith.mulf %div3A_216, %div3A_136 : f32
    %integer_pow3A = arith.mulf %add3A_207, %add3A_207 : f32
    %div3A_218 = arith.divf %add3A_200, %integer_pow3A : f32
    %mul3A_219 = arith.mulf %div3A_218, %div3A_164 : f32
    %sub3A_220 = arith.subf %mul3A_217, %mul3A_219 : f32
    %div3A_221 = arith.constant 1.000000e+00 : f32
    %div3A_222 = arith.divf %div3A_221, %add3A_214 : f32
    %mul3A_223 = arith.mulf %div3A_222, %div3A_193 : f32
    %add3A_224 = arith.addf %sub3A_220, %mul3A_223 : f32
    %div3A_225 = arith.constant 1.000000e+00 : f32
    %div3A_226 = arith.divf %div3A_225, %add3A_207 : f32
    %mul3A_227 = arith.mulf %div3A_226, %div3A_164 : f32
    %sub3A_228 = arith.subf %add3A_224, %mul3A_227 : f32
    %mul3A_229 = arith.constant 5.000000e-01 : f32
    %mul3A_230 = arith.mulf %mul3A_229, %sub3A_228 : f32
    %add3A_231 = arith.addf %div3A_101, %mul3A_230 : f32
    %swap3A = arith.constant 0 : index
    %swap3A_232 = arith.constant 0 : index
    %swap3A_233 = memref.load %arg6[%swap3A, %swap3A_232] : memref<1x1xf32, #tpu.memory_space<smem>>
    memref.store %add3A_231, %arg6[%swap3A, %swap3A_232] : memref<1x1xf32, #tpu.memory_space<smem>>
    return
  }
}

</mosaic_0001>

<sc_bundles>
// kernel: kernel.4.cloned.1.call-start
scs
__scs_entry_jumppad:
0x0: {  	(pc) =	sbr.rel $0x88, $3  }
0x1: {  	(tag) =	ssettag $0x0;
	lr =	simm.s32 $0x1  }
0x2: {  	[smem:$0x3F9A] =	sst lr;
	_ =	strace $0xD0000000  }
0x3: {  	_ = 	snop  }
0x4: {  	_ = 	snop  }
0x5: {  	_ = 	snop  }
0x6: {  	_ = 	snop  }
0x7: {  	_ = 	snop  }
__scs_overlays_trampoline_lowered:
0x8: {  	[smem:$0x3FA9] =	sst s0  }
0x9: {  	[smem:$0x3FAA] =	sst s1  }
0xa: {  	[smem:$0x3FAB] =	sst s2  }
0xb: {  	[smem:$0x3FAC] =	sst s3  }
0xc: {  	[smem:$0x3FAD] =	sst s4  }
0xd: {  	[smem:$0x3FAE] =	sst s5  }
0xe: {  	[smem:$0x3FAF] =	sst s6  }
0xf: {  	[smem:$0x3FB0] =	sst s7  }
0x10: {  	[smem:$0x3FB1] =	sst s8  }
0x11: {  	[smem:$0x3FB2] =	sst s9;
	s0 =	simm.s32 @!p0 $0x0  }
0x12: {  	s1 =	sld [smem:$0x3F98];
	s0 =	simm.s32 @p0 $0x1  }
0x13: {  	[smem:$0x3FB3] =	sst s0;
	s0 =	simm.s32 @!p1 $0x0  }
0x14: {  	s2 =	sld [smem:$0x3F97];
	s0 =	simm.s32 @p1 $0x1  }
0x15: {  	[smem:$0x3FB4] =	sst s0;
	s0 =	simm.s32 @!p2 $0x0  }
0x16: {  	s3 =	sld [smem:$0x3FDB];
	s0 =	simm.s32 @p2 $0x1  }
0x17: {  	s4 =	simm.s32 $0x1BF5;
	[smem:$0x3FB6] =	sst s0  }
0x18: {  	s0 =	sld [smem:$0x3F99];
	_ =	swait.ge [sflag:s4], $0x0  }
0x19: {  	s7 =	sld [smem:$0x3F9A]  }
0x1a: {  	s8 =	sadd.s32 $0xFFFFE003, lr  }
0x1b: {  	s9 =	sadd.s32 $0xFFFFFEF7, lr;
	s5 =	simm.s32 $0xFFFFFFFF;
	p2 =	slt.u32 s8, $0xFFFFF086  }
0x1c: {  	p1 =	slt.u32 s9, $0xF7A;
	s5 =	simm.s32 @!p2 $0x0  }
0x1d: {  	s5 =	simm.s32 @p1 $0x1;
	p0 =	seq.s32 s7, s2  }
0x1e: {  	s7 =	smul.u32 @!p0 $0xF7A, s2;
	p2 =	seq.s32 @!p0 s5, $0x0  }
0x1f: {  	s9 =	smul.u32 $0xF7A, s1;
	s8 =	simm.s32 @!p0 $0x1BF5;
	p2 =	por !p2, p0  }
0x20: {  	[sflag:s8] =	ssyncset.s32 @!p0 $0xFFFFF086;
	s6 =	sadd.s32 @!p0 s3, s7;
	s7 =	simm.s32 @!p0 $0x108  }
0x21: {  	s3 =	sadd.s32 s3, s9;
	s6 =	sadd.s32 @!p0 $0x88, s6;
	s7 =	simm.s32 @p2 $0x1082  }
0x22: {  	[simem:s7], [sflag:s8] =	dma.local @!p0 [hbm:s6], $0xF7A  }
0x23: {  	s9 =	sor.u32 $0xD0000000, s2;
	s6 =	simm.s32 $0x108;
	_ =	swait.ge @!p0 [sflag:s8], $0x0  }
0x24: {  	s3 =	sadd.s32 $0x88, s3;
	s6 =	simm.s32 @!p1 $0x1082;
	[sflag:s4] =	ssyncset.s32 $0xFFFFF086  }
0x25: {  	[simem:s6], [sflag:s4] =	dma.local [hbm:s3], $0xF7A  }
0x26: {  	[smem:$0x3F9A] =	sst s1;
	(tag) =	ssettag s2;
	_ =	strace s9  }
0x27: {  	s1 =	sld [smem:$0x3FAA]  }
0x28: {  	s2 =	sld [smem:$0x3FAB]  }
0x29: {  	s4 =	sld [smem:$0x3FAD]  }
0x2a: {  	p0 =	seq.s32 s5, $0x0;
	s5 =	sld [smem:$0x3FAE]  }
0x2b: {  	s6 =	sld [smem:$0x3FAF]  }
0x2c: {  	s7 =	sld [smem:$0x3FB0]  }
0x2d: {  	s3 =	simm.s32 $0x108;
	s8 =	sld [smem:$0x3FB1]  }
0x2e: {  	s3 =	simm.s32 @!p0 $0x1082;
	s9 =	sld [smem:$0x3FB2]  }
0x2f: {  	lr =	sadd.s32 s0, s3;
	s0 =	sld [smem:$0x3FA9]  }
0x30: {  	s3 =	sld [smem:$0x3FAC]  }
0x31: {  	[smem:$0x3FB5] =	sst s10  }
0x32: {  	s10 =	sld [smem:$0x3FB3];
	_ =	sdelay $0x3  }
0x33: {  	p0 =	seq.s32 s10, $0x1;
	s10 =	sld [smem:$0x3FB5];
	_ =	sdelay $0x3  }
0x34: {  	[smem:$0x3FB5] =	sst s10  }
0x35: {  	s10 =	sld [smem:$0x3FB4];
	_ =	sdelay $0x3  }
0x36: {  	p1 =	seq.s32 s10, $0x1;
	s10 =	sld [smem:$0x3FB5];
	_ =	sdelay $0x3  }
0x37: {  	[smem:$0x3FB5] =	sst s10  }
0x38: {  	s10 =	sld [smem:$0x3FB6]  }
0x39: {  	_ = 	snop;
	(pc) =	sbr.ind lr, $3  }
0x3a: {  	_ = 	snop  }
0x3b: {  	_ = 	snop  }
0x3c: {  	p2 =	seq.s32 s10, $0x1;
	s10 =	sld [smem:$0x3FB5]  }
0x3d: {  	_ =	shalt  }
0x3e: {  	_ =	shalt  }
0x3f: {  	_ =	shalt  }
0x40: {  	_ =	shalt  }
0x41: {  	_ =	shalt  }
0x42: {  	_ =	shalt  }
0x43: {  	_ =	shalt  }
0x44: {  	_ =	shalt  }
0x45: {  	_ =	shalt  }
0x46: {  	_ =	shalt  }
0x47: {  	_ =	shalt  }
0x48: {  	_ =	shalt  }
0x49: {  	_ =	shalt  }
0x4a: {  	_ =	shalt  }
0x4b: {  	_ =	shalt  }
0x4c: {  	_ =	shalt  }
0x4d: {  	_ =	shalt  }
0x4e: {  	_ =	shalt  }
0x4f: {  	_ =	shalt  }
0x50: {  	_ =	shalt  }
0x51: {  	_ =	shalt  }
0x52: {  	_ =	shalt  }
0x53: {  	_ =	shalt  }
0x54: {  	_ =	shalt  }
0x55: {  	_ =	shalt  }
0x56: {  	_ =	shalt  }
0x57: {  	_ =	shalt  }
0x58: {  	_ =	shalt  }
0x59: {  	_ =	shalt  }
0x5a: {  	_ =	shalt  }
0x5b: {  	_ =	shalt  }
0x5c: {  	_ =	shalt  }
0x5d: {  	_ =	shalt  }
0x5e: {  	_ =	shalt  }
0x5f: {  	_ =	shalt  }
0x60: {  	_ =	shalt  }
0x61: {  	_ =	shalt  }
0x62: {  	_ =	shalt  }
0x63: {  	_ =	shalt  }
0x64: {  	_ =	shalt  }
0x65: {  	_ =	shalt  }
0x66: {  	_ =	shalt  }
0x67: {  	_ =	shalt  }
0x68: {  	_ =	shalt  }
0x69: {  	_ =	shalt  }
0x6a: {  	_ =	shalt  }
0x6b: {  	_ =	shalt  }
0x6c: {  	_ =	shalt  }
0x6d: {  	_ =	shalt  }
0x6e: {  	_ =	shalt  }
0x6f: {  	_ =	shalt  }
0x70: {  	_ =	shalt  }
0x71: {  	_ =	shalt  }
0x72: {  	_ =	shalt  }
0x73: {  	_ =	shalt  }
0x74: {  	_ =	shalt  }
0x75: {  	_ =	shalt  }
0x76: {  	_ =	shalt  }
0x77: {  	_ =	shalt  }
0x78: {  	_ =	shalt  }
0x79: {  	_ =	shalt  }
0x7a: {  	_ =	shalt  }
0x7b: {  	_ =	shalt  }
0x7c: {  	_ =	shalt  }
0x7d: {  	_ =	shalt  }
0x7e: {  	_ =	shalt  }
0x7f: {  	_ =	shalt  }
0x80: {  	_ =	shalt  }
0x81: {  	_ =	shalt  }
0x82: {  	_ =	shalt  }
0x83: {  	_ =	shalt  }
0x84: {  	_ =	shalt  }
0x85: {  	_ =	shalt  }
0x86: {  	_ =	shalt  }
0x87: {  	_ =	shalt  }
.Lfunc_end0:
.L_simem_size_0:
called_computation_lowered:
.L_overlay_start_0:
0x88: {  	s0 =	sld [smem:$0x3FD9]  }
0x89: {  	s1 =	sld [smem:$0x3FFE];
	_ =	sdelay $0x3  }
0x8a: {  	s0 =	sadd.s32 s1, s0  }
0x8b: {  	[smem:$0x3FC1] =	sst s0  }
0x8c: {  	_ = 	snop  }
0x8d: {  	s0 =	sld [smem:$0x3FC6];
	(tm) =	ssettm $0x1  }
0x8e: {  	s16 =	sld [smem:$0x3FFB];
	_ =	sdelay $0x3  }
0x8f: {  	_ =	strace s16  }
0x90: {  	s1 =	sld [smem:$0x3FFC];
	_ =	sdelay $0x3  }
0x91: {  	_ =	strace s1  }
0x92: {  	s1 =	sld [smem:$0x3FFD];
	_ =	sdelay $0x3  }
0x93: {  	_ =	strace s1  }
0x94: {  	_ =	strace $0x8FFFFFFF  }
0x95: {  	s17 =	sld [smem:$0x3FDB];
	_ =	sdelay $0x1  }
0x96: {  	s2 =	simm.s32 $_scs_section_size  }
0x97: {  	s3 =	simm.s32 $_size__tile_overlayer_lowered;
	s4 =	simm.s32 $_tile_overlayer_lowered  }
0x98: {  	s20 =	simm.s32 $0x1BFF;
	s19 =	sshll.u32 s4, $0x1;
	s1 =	sadd.s32 s2, s17  }
0x99: {  	s5 =	simm.s32 $0x0;
	s18 =	sshll.u32 s3, $0x1;
	s3 =	sadd.s32 s19, s1  }
0x9a: {  	[timem:s5], [sflag:s20] =	dma.local [hbm:s3], s18  }
0x9b: {  	_ =	swait.ge [sflag:s20], s18  }
0x9c: {  	s2 =	ssub.s32 $0x0, s18;
	[sflag:s20] =	ssyncset.done $0x0  }
0x9d: {  	[sflag:s20] =	ssyncadd.s32 s2;
	_ =	sdelay $0x1  }
0x9e: {  	s21 =	simm.s32 $0x1B8B  }
0x9f: {  	_ =	swait.ge [sflag:s21], $0x1  }
0xa0: {  	[sflag:s21] =	ssyncset.done $0x0  }
0xa1: {  	s23 =	simm.s32 $0x1B8E;
	s22 =	sld [smem:$0x3FFE];
	[sflag:s21] =	ssyncadd.s32 $0xFFFFFFFF  }
0xa2: {  	s24 =	simm.s32 $execute0_lowered;
	[smem:$0x3FD2] =	sst s23  }
0xa3: {  	s3 =	sshll.u32 s24, $0x1;
	_ =	strace $0x80000046;
	[dreg:$0x1] =	wrdreg $0xFFFFFFFF  }
0xa4: {  	s25 =	simm.s32 $_size_execute0_lowered;
	s1 =	sadd.s32 s1, s3;
	[dreg:$0x0] =	wrdreg $0x0  }
0xa5: {  	s3 =	sshll.u32 s25, $0x1;
	[dreg:$0x2] =	wrdreg s1  }
0xa6: {  	[dreg:$0x3] =	wrdreg s3  }
0xa7: {  	[dreg:$0x4] =	wrdreg $0xC0  }
0xa8: {  	_ =	task [dreg:s5], $0x5FFFF  }
0xa9: {  	[dreg:$0x1] =	wrdreg $0xFFFFFFFF  }
0xaa: {  	[dreg:$0x0] =	wrdreg $0x60  }
0xab: {  	[dreg:$0x2] =	wrdreg s22  }
0xac: {  	[dreg:$0x3] =	wrdreg s0  }
0xad: {  	[dreg:$0x4] =	wrdreg $0x9  }
0xae: {  	_ =	task.clear_ibuf [dreg:s5], $0x5FFFF;
	_ =	strace $0x90000046  }
0xaf: {  	s26 =	simm.s32 $0x9;
	_ =	strace $0x80000048  }
0xb0: {  	_ =	swait.ge [sflag:s26], $0x1  }
0xb1: {  	[sflag:s26] =	ssyncadd.s32 $0xFFFFFFFF  }
0xb2: {  	_ =	strace $0x90000048  }
0xb3: {  	_ =	sfence  }
0xb4: {  	s28 =	sld [smem:$0x0];
	_ =	sdelay $0x1  }
0xb5: {  	s29 =	srdreg.scid  }
0xb6: {  	s30 =	sshll.u32 s29, $0xD;
	s31 =	sshrl.u32 s29, $0x2  }
0xb7: {  	s2 =	sand.u32 $0x4000, s30;
	s1 =	sand.u32 $0x1, s29;
	s0 =	sadd.s32 s31, s28  }
0xb8: {  	s1 =	sor.u32 s2, s1;
	s0 =	sshll.u32 s0, $0x11  }
0xb9: {  	s0 =	sor.u32 s0, s1  }
0xba: {  	s0 =	sadd.s32 $0x8F2B, s0  }
0xbb: {  	[sflag:s0] =	ssyncadd.remote.s32 $0x1  }
0xbc: {  	_ =	sfence.sel $0xFFFF  }
0xbd: {  	[dreg:$0x0] =	wrdreg $0xFFFFFFFF;
	(pc) =	sbr.abs _section_cstart, $3  }
0xbe: {  	[dreg:$0x1] =	wrdreg $0xFFFFFFFF  }
0xbf: {  	_ =	task.clear_ibuf [dreg:s5], $0x2FFFF;
	_ =	strace $0x9FFFFFFF  }
0xc0: {  	(tm) =	ssettm $0x7FFFFFFF  }
0xc1: {  	_ =	shalt  }
tec
execute0_lowered:
.L_overlay_start_1:
0x0: {  	(tag) =	ssettag $0x1  }
0x1: {  	s0 =	rddreg [dreg:$0x0]  }
0x2: {  	s1 =	rddreg [dreg:$0x1]  }
0x3: {  	s2 =	rddreg [dreg:$0x2];
	s3 =	simm.s32 $0x0;
	s4 =	stileid.u32  }
0x4: {  	[smem:$0x7FF] =	sst s3;
	s5 =	sshll.u32 s4, $0x5  }
0x5: {  	s30 =	simm.s32 $0x3;
	_ =	strace $0x80000047;
	s1 =	sadd.s32 s1, s5  }
0x6: {  	[tilespmem:s3], [sflag:$0x3] =	stream.linear.gather [hbm4b:s1+s3], $0x100, $0x38;
	[tilespmem:$0x300] =	vst v63  }
0x7: {  	_ =	swait.ge [sflag:s30], $0x100  }
0x8: {  	s7 =	simm.s32 $0x80;
	[sflag:s30] =	ssyncset.done $0x0  }
0x9: {  	s8 =	simm.s32 $0x100;
	s6 =	sadd.s32 $0xC00, s0;
	[sflag:s30] =	ssyncadd.s32 $0xFFFFFF00  }
0xa: {  	[tilespmem:s8], [sflag:$0x1] =	stream.indirect.gather [hbm4b:s6+s7], $0x1, s3, s7, $0xb8;
	[tilespmem:$0x300] =	vst v63  }
0xb: {  	s10 =	simm.s32 $0x200;
	s11 =	simm.s32 $0x1;
	s9 =	sadd.s32 $0x3E00, s0  }
0xc: {  	[tilespmem:s10], [sflag:$0x2] =	stream.indirect.gather [hbm4b:s9+s7], $0x1, s3, s7, $0xb8;
	[tilespmem:$0x300] =	vst v63  }
0xd: {  	_ =	swait.ge [sflag:s11], $0x80  }
0xe: {  	[sflag:s11] =	ssyncset.done $0x0  }
0xf: {  	s12 =	simm.s32 $0x2;
	[sflag:s11] =	ssyncadd.s32 $0xFFFFFF80  }
0x10: {  	_ =	swait.ge [sflag:s12], $0x80  }
0x11: {  	[sflag:s12] =	ssyncset.done $0x0  }
0x12: {  	s13 =	simm.s32 $0x180;
	[sflag:s12] =	ssyncadd.s32 $0xFFFFFF80  }
0x13: {  	[tilespmem:s13], [sflag:$0x1] =	stream.indirect.gather [hbm4b:s6+s7], $0x1, s7, s7, $0xb8;
	[tilespmem:$0x300] =	vst v63  }
0x14: {  	s31 =	simm.s32 $0x280  }
0x15: {  	[tilespmem:s31], [sflag:$0x2] =	stream.indirect.gather [hbm4b:s9+s7], $0x1, s7, s7, $0xb8;
	[tilespmem:$0x300] =	vst v63  }
0x16: {  	_ =	swait.ge [sflag:s11], $0x80  }
0x17: {  	[sflag:s11] =	ssyncset.done $0x0  }
0x18: {  	[sflag:s11] =	ssyncadd.s32 $0xFFFFFF80  }
0x19: {  	_ =	swait.ge [sflag:s12], $0x80  }
0x1a: {  	s0 =	sadd.s32 s5, s0;
	[sflag:s12] =	ssyncset.done $0x0  }
0x1b: {  	s5 =	sadd.s32 $0x7000, s0;
	[sflag:s12] =	ssyncadd.s32 $0xFFFFFF80  }
0x1c: {  	[hbm4b:s5+s3] =	stream.linear.scatter [tilespmem:s8], [sflag:$0x3], $0x100, $0x38;
	[tilespmem:$0x300] =	vst v63  }
0x1d: {  	_ =	swait.ge [sflag:s30], $0x100  }
0x1e: {  	[sflag:s30] =	ssyncset.done $0x0  }
0x1f: {  	s0 =	sadd.s32 $0x7200, s0;
	[sflag:s30] =	ssyncadd.s32 $0xFFFFFF00  }
0x20: {  	[hbm4b:s0+s3] =	stream.linear.scatter [tilespmem:s10], [sflag:$0x3], $0x100, $0x38;
	[tilespmem:$0x300] =	vst v63  }
0x21: {  	_ =	swait.ge [sflag:s30], $0x100  }
0x22: {  	[sflag:s30] =	ssyncset.done $0x0  }
0x23: {  	[sflag:s30] =	ssyncadd.s32 $0xFFFFFF00  }
0x24: {  	_ =	sfence.sel $0x180000  }
0x25: {  	[bflag:$0x0] =	sbarrier.arrive $0xFFFF  }
0x26: {  	p0 =	sne.s32 s4, $0x0;
	_ =	strace $0x90000047  }
0x27: {  	s0 =	sadd.s32 @!p0 $0x100000, s2;
	[bflag:$0x2] =	sbarrier.arrive $0xFFFF  }
0x28: {  	[sflag:s0] =	ssyncadd.tile.s32 @!p0 $0x1;
	_ =	shalt  }
.Lfunc_end2:
_tile_overlayer_lowered:
.L_overlay_start_2:
0x29: {  	(tag) =	ssettag $0x2  }
0x2a: {  	s0 =	rddreg [dreg:$0x0];
	s2 =	stileid.u32  }
0x2b: {  	s1 =	rddreg [dreg:$0x1];
	p0 =	sne.s32 s2, $0x0  }
0x2c: {  	s3 =	rddreg [dreg:$0x2];
	[bflag:$0x3] =	sbarrier.arrive $0xFFFF;
	s2 =	simm.s32 @!p0 $0x1C03  }
0x2d: {  	[timem:s3], [sflag:s2] =	dma.local @!p0 [hbm:s0], s1  }
0x2e: {  	s0 =	simm.s32 @!p0 $0x3  }
0x2f: {  	_ =	swait.ge @!p0 [sflag:s0], s1  }
0x30: {  	s1 =	ssub.s32 @!p0 $0x0, s1;
	[sflag:s0] =	ssyncset.done @!p0 $0x0  }
0x31: {  	[sflag:s0] =	ssyncadd.s32 @!p0 s1  }
0x32: {  	[bflag:$0x3] =	sbarrier.arrive $0xFFFF  }
0x33: {  	_ =	shalt  }

</sc_bundles>
